<compile_context>
chip_gen: v7x
topology: tpu7x:2x2x1
jax: 0.10.2.dev20260603
libtpu: 0.0.44.dev20260713+nightly
codegen_flags: <defaults>
</compile_context>

<pallas_src>
import jax
import jax.numpy as jnp
from jax import lax
from jax.experimental import pallas as pl
from jax.experimental.pallas import tpu as pltpu
from jax.experimental.pallas import tpu_sc as plsc

D_MODEL = 1024
MAX_LEN = 2048

NC = 2
NS = 16
NW = NC * NS

BATCH = 4
SEQ = 2048
B = BATCH * SEQ
B_PER_W = B // NW
W_PER_ROW = SEQ // B_PER_W
CHUNK = 32
N_CHUNKS = B_PER_W // CHUNK
NBUF = 3


def _pe_gather_body(pe_hbm, x_hbm, out_hbm, idx_v,
                    buf0, buf1, buf2, sg0, sg1, sg2, ss0, ss1, ss2):
    bufs = (buf0, buf1, buf2)
    sgs = (sg0, sg1, sg2)
    sss = (ss0, ss1, ss2)
    wid = lax.axis_index("s") * NC + lax.axis_index("c")
    b = wid // W_PER_ROW
    off = (wid % W_PER_ROW) * B_PER_W
    pltpu.sync_copy(x_hbm.at[b, pl.ds(off, B_PER_W)], idx_v)

    def gather(c):
        s = c % NBUF
        src = pe_hbm.at[idx_v.at[pl.ds(c * CHUNK, CHUNK)]]
        return pltpu.make_async_copy(src, bufs[s], sgs[s])

    def scatter(c):
        s = c % NBUF
        dst = out_hbm.at[b, pl.ds(off + c * CHUNK, CHUNK)]
        return pltpu.make_async_copy(bufs[s], dst, sss[s])

    gather(0).start()
    gather(1).start()
    for c in range(N_CHUNKS):
        gather(c).wait()
        scatter(c).start()
        nxt = c + NBUF - 1
        if nxt < N_CHUNKS:
            if c >= 1:
                scatter(c - 1).wait()
            gather(nxt).start()
    scatter(N_CHUNKS - 3).wait()
    scatter(N_CHUNKS - 2).wait()
    scatter(N_CHUNKS - 1).wait()


@jax.jit
def kernel(x, pe):
    mesh = plsc.VectorSubcoreMesh(core_axis_name="c", subcore_axis_name="s")
    run = pl.kernel(
        _pe_gather_body,
        mesh=mesh,
        out_type=jax.ShapeDtypeStruct((BATCH, SEQ, 1, D_MODEL), jnp.float32),
        scratch_types=[
            pltpu.VMEM((B_PER_W,), jnp.int32),
            pltpu.VMEM((CHUNK, 1, D_MODEL), jnp.float32),
            pltpu.VMEM((CHUNK, 1, D_MODEL), jnp.float32),
            pltpu.VMEM((CHUNK, 1, D_MODEL), jnp.float32),
            pltpu.SemaphoreType.DMA,
            pltpu.SemaphoreType.DMA,
            pltpu.SemaphoreType.DMA,
            pltpu.SemaphoreType.DMA,
            pltpu.SemaphoreType.DMA,
            pltpu.SemaphoreType.DMA,
        ],
    )
    return run(pe, x.astype(jnp.int32))

# --- scband reference (transcript-rebuilt; emitter-appended) ---
"""Pipeline reference for scband-positional-encoding-16389595202148 (READ-ONLY COPY).

The authoritative reference and input builder live on the scoring server;
editing this copy changes nothing except your own understanding.
"""

import math
import jax, jax.numpy as jnp
import numpy as np

D_MODEL = 1024
MAX_LEN = 2048

def _build_pe():
    position = jnp.arange(MAX_LEN, dtype=jnp.float32)[:, None]
    div_term = jnp.exp(jnp.arange(0, D_MODEL, 2, dtype=jnp.float32) * (-math.log(10000.0) / D_MODEL))
    pe = jnp.zeros((MAX_LEN, 1, D_MODEL), dtype=jnp.float32)
    pe = pe.at[:, 0, 0::2].set(jnp.sin(position * div_term))
    pe = pe.at[:, 0, 1::2].set(jnp.cos(position * div_term))
    return pe

def setup_inputs(seed: int = 0) -> dict:
    key = jax.random.key(seed)
    x = jax.random.randint(key, (4, 2048), 0, MAX_LEN, dtype=jnp.int64 if jax.config.jax_enable_x64 else jnp.int32)
    pe = _build_pe()
    return {"x": x, "pe": pe}

def reference(x, pe):
    # forward: return self.pe[x]  (dropout is constructed but not applied in forward)
    return jnp.take(pe, x, axis=0)

if __name__ == "__main__":
    import jax
    _d = setup_inputs()
    print(jax.jit(kernel)(*tuple(_d.values())))

</pallas_src>

<mosaic_0001>
#map = affine_map<(d0, d1) -> (0, 0, 0)>
#map1 = affine_map<(d0, d1) -> (0, 0)>
#map2 = affine_map<(d0, d1) -> (0, 0, 0, 0)>
module attributes {stable_mosaic.version = 14 : i64} {
  func.func @_pe_gather_body(%arg0: i32, %arg1: i32, %arg2: memref<2048x1x1024xf32, #tpu.memory_space<hbm>>, %arg3: memref<4x2048xi32, #tpu.memory_space<hbm>>, %arg4: memref<4x2048x1x1024xf32, #tpu.memory_space<hbm>>, %arg5: memref<256xi32, #tpu.memory_space<vmem>>, %arg6: memref<32x1x1024xf32, #tpu.memory_space<vmem>>, %arg7: memref<32x1x1024xf32, #tpu.memory_space<vmem>>, %arg8: memref<32x1x1024xf32, #tpu.memory_space<vmem>>, %arg9: memref<!tpu.dma_semaphore, #tpu.memory_space<semaphore_mem>>, %arg10: memref<!tpu.dma_semaphore, #tpu.memory_space<semaphore_mem>>, %arg11: memref<!tpu.dma_semaphore, #tpu.memory_space<semaphore_mem>>, %arg12: memref<!tpu.dma_semaphore, #tpu.memory_space<semaphore_mem>>, %arg13: memref<!tpu.dma_semaphore, #tpu.memory_space<semaphore_mem>>, %arg14: memref<!tpu.dma_semaphore, #tpu.memory_space<semaphore_mem>>) attributes {dimension_semantics = [#tpu.dimension_semantics<core_parallel>, #tpu.dimension_semantics<subcore_parallel>], iteration_bounds = array<i64: 2, 16>, scalar_prefetch = 0 : i64, scratch_operands = 10 : i64, tpu.core_type = #tpu.core_type<sc_vector_subcore>, window_params = [{transform_indices = #map}, {transform_indices = #map1}, {transform_indices = #map2}]} {
    %mul3A = arith.constant 2 : i32
    %mul3A_0 = arith.muli %arg1, %mul3A : i32
    %add3A = arith.addi %mul3A_0, %arg0 : i32
    %jit3A = arith.constant 8 : i32
    %div3A = arith.divsi %add3A, %jit3A : i32
    %sign3A = arith.constant 0 : i32
    %sign3A_1 = arith.cmpi sgt, %add3A, %sign3A : i32
    %sign3A_2 = arith.extui %sign3A_1 : i1 to i32
    %sign3A_3 = arith.constant 0 : i32
    %sign3A_4 = arith.cmpi slt, %add3A, %sign3A_3 : i32
    %sign3A_5 = arith.extui %sign3A_4 : i1 to i32
    %sign3A_6 = arith.subi %sign3A_2, %sign3A_5 : i32
    %sign3A_7 = arith.constant 0 : i32
    %sign3A_8 = arith.cmpi sgt, %jit3A, %sign3A_7 : i32
    %sign3A_9 = arith.extui %sign3A_8 : i1 to i32
    %sign3A_10 = arith.constant 0 : i32
    %sign3A_11 = arith.cmpi slt, %jit3A, %sign3A_10 : i32
    %sign3A_12 = arith.extui %sign3A_11 : i1 to i32
    %sign3A_13 = arith.subi %sign3A_9, %sign3A_12 : i32
    %ne3A = arith.cmpi ne, %sign3A_6, %sign3A_13 : i32
    %rem3A = arith.remsi %add3A, %jit3A : i32
    %ne3A_14 = arith.constant 0 : i32
    %ne3A_15 = arith.cmpi ne, %rem3A, %ne3A_14 : i32
    %and3A = arith.andi %ne3A, %ne3A_15 : i1
    %sub3A = arith.constant 1 : i32
    %sub3A_16 = arith.subi %div3A, %sub3A : i32
    %select_n3A = arith.select %and3A, %sub3A_16, %div3A : i32
    %jit3A_17 = arith.constant 8 : i32
    %eq3A = arith.constant 0 : i32
    %eq3A_18 = arith.cmpi eq, %jit3A_17, %eq3A : i32
    %jit3A_19 = arith.constant 1 : i32
    %select_n3A_20 = arith.select %eq3A_18, %jit3A_19, %jit3A_17 : i32
    %rem3A_21 = arith.remsi %add3A, %select_n3A_20 : i32
    %ne3A_22 = arith.constant 0 : i32
    %ne3A_23 = arith.cmpi ne, %rem3A_21, %ne3A_22 : i32
    %lt3A = arith.constant 0 : i32
    %lt3A_24 = arith.cmpi slt, %rem3A_21, %lt3A : i32
    %lt3A_25 = arith.constant 0 : i32
    %lt3A_26 = arith.cmpi slt, %select_n3A_20, %lt3A_25 : i32
    %ne3A_27 = arith.xori %lt3A_24, %lt3A_26 : i1
    %and3A_28 = arith.andi %ne3A_27, %ne3A_23 : i1
    %add3A_29 = arith.addi %rem3A_21, %select_n3A_20 : i32
    %select_n3A_30 = arith.select %and3A_28, %add3A_29, %rem3A_21 : i32
    %mul3A_31 = arith.constant 256 : i32
    %mul3A_32 = arith.muli %select_n3A_30, %mul3A_31 : i32
    "tpu.region"() ({
      %run_scoped3A = tpu.sem_alloc : memref<!tpu.dma_semaphore, #tpu.memory_space<semaphore_mem>>
      %dma_start3A_287 = tpu.memref_slice %arg3[%select_n3A, %mul3A_32] : memref<4x2048xi32, #tpu.memory_space<hbm>> -> memref<1x256xi32, #tpu.memory_space<hbm>>
      %dma_start3A_288 = tpu.memref_squeeze %dma_start3A_287 : memref<1x256xi32, #tpu.memory_space<hbm>> -> memref<256xi32, #tpu.memory_space<hbm>>
      %dma_start3A_289 = tpu.memref_slice %arg3[%select_n3A, %mul3A_32] : memref<4x2048xi32, #tpu.memory_space<hbm>> -> memref<1x256xi32, #tpu.memory_space<hbm>>
      %dma_start3A_290 = tpu.memref_squeeze %dma_start3A_289 : memref<1x256xi32, #tpu.memory_space<hbm>> -> memref<256xi32, #tpu.memory_space<hbm>>
      tpu.enqueue_dma source(%dma_start3A_290 : memref<256xi32, #tpu.memory_space<hbm>>) target(%arg5 : memref<256xi32, #tpu.memory_space<vmem>>) target_semaphore(%run_scoped3A : memref<!tpu.dma_semaphore, #tpu.memory_space<semaphore_mem>>)
      %dma_wait3A_291 = tpu.memref_slice %arg3[%select_n3A, %mul3A_32] : memref<4x2048xi32, #tpu.memory_space<hbm>> -> memref<1x256xi32, #tpu.memory_space<hbm>>
      %dma_wait3A_292 = tpu.memref_squeeze %dma_wait3A_291 : memref<1x256xi32, #tpu.memory_space<hbm>> -> memref<256xi32, #tpu.memory_space<hbm>>
      %dma_wait3A_293 = tpu.memref_slice %arg3[%select_n3A, %mul3A_32] : memref<4x2048xi32, #tpu.memory_space<hbm>> -> memref<1x256xi32, #tpu.memory_space<hbm>>
      %dma_wait3A_294 = tpu.memref_squeeze %dma_wait3A_293 : memref<1x256xi32, #tpu.memory_space<hbm>> -> memref<256xi32, #tpu.memory_space<hbm>>
      tpu.wait_dma2 semaphore(%run_scoped3A : memref<!tpu.dma_semaphore, #tpu.memory_space<semaphore_mem>>) src(%dma_wait3A_294 : memref<256xi32, #tpu.memory_space<hbm>>) dst(%arg5 : memref<256xi32, #tpu.memory_space<vmem>>)
      tpu.yield
    }) : () -> ()
    %dma_start3A = arith.constant 0 : i32
    %dma_start3A_33 = tpu.memref_slice %arg5[%dma_start3A] : memref<256xi32, #tpu.memory_space<vmem>> -> memref<32xi32, #tpu.memory_space<vmem>>
    %dma_start3A_34 = arith.constant 0 : i32
    %dma_start3A_35 = arith.constant 0 : i32
    %dma_start3A_36 = arith.constant 0 : i32
    %dma_start3A_37 = tpu.memref_slice %arg2[%dma_start3A_34, %dma_start3A_35, %dma_start3A_36] : memref<2048x1x1024xf32, #tpu.memory_space<hbm>> -> memref<2048x1x1024xf32, #tpu.memory_space<hbm>>
    tpu.enqueue_indirect_dma source(%dma_start3A_37 : memref<2048x1x1024xf32, #tpu.memory_space<hbm>>) target(%arg6 : memref<32x1x1024xf32, #tpu.memory_space<vmem>>) offsets(%dma_start3A_33 : memref<32xi32, #tpu.memory_space<vmem>>) semaphore(%arg9 : memref<!tpu.dma_semaphore, #tpu.memory_space<semaphore_mem>>)
    %dma_start3A_38 = arith.constant 32 : i32
    %dma_start3A_39 = tpu.memref_slice %arg5[%dma_start3A_38] : memref<256xi32, #tpu.memory_space<vmem>> -> memref<32xi32, #tpu.memory_space<vmem>>
    %dma_start3A_40 = arith.constant 0 : i32
    %dma_start3A_41 = arith.constant 0 : i32
    %dma_start3A_42 = arith.constant 0 : i32
    %dma_start3A_43 = tpu.memref_slice %arg2[%dma_start3A_40, %dma_start3A_41, %dma_start3A_42] : memref<2048x1x1024xf32, #tpu.memory_space<hbm>> -> memref<2048x1x1024xf32, #tpu.memory_space<hbm>>
    tpu.enqueue_indirect_dma source(%dma_start3A_43 : memref<2048x1x1024xf32, #tpu.memory_space<hbm>>) target(%arg7 : memref<32x1x1024xf32, #tpu.memory_space<vmem>>) offsets(%dma_start3A_39 : memref<32xi32, #tpu.memory_space<vmem>>) semaphore(%arg10 : memref<!tpu.dma_semaphore, #tpu.memory_space<semaphore_mem>>)
    %dma_wait3A = arith.constant 0 : i32
    %dma_wait3A_44 = tpu.memref_slice %arg5[%dma_wait3A] : memref<256xi32, #tpu.memory_space<vmem>> -> memref<32xi32, #tpu.memory_space<vmem>>
    %dma_wait3A_45 = arith.constant 0 : i32
    %dma_wait3A_46 = arith.constant 0 : i32
    %dma_wait3A_47 = arith.constant 0 : i32
    %dma_wait3A_48 = tpu.memref_slice %arg2[%dma_wait3A_45, %dma_wait3A_46, %dma_wait3A_47] : memref<2048x1x1024xf32, #tpu.memory_space<hbm>> -> memref<2048x1x1024xf32, #tpu.memory_space<hbm>>
    tpu.wait_indirect_dma semaphore(%arg9 : memref<!tpu.dma_semaphore, #tpu.memory_space<semaphore_mem>>) src(%dma_wait3A_48 : memref<2048x1x1024xf32, #tpu.memory_space<hbm>>) dst(%arg6 : memref<32x1x1024xf32, #tpu.memory_space<vmem>>)
    %add3A_49 = arith.constant 0 : i32
    %add3A_50 = arith.addi %mul3A_32, %add3A_49 : i32
    %dma_start3A_51 = arith.constant 0 : i32
    %dma_start3A_52 = arith.constant 0 : i32
    %dma_start3A_53 = tpu.memref_slice %arg4[%select_n3A, %add3A_50, %dma_start3A_51, %dma_start3A_52] : memref<4x2048x1x1024xf32, #tpu.memory_space<hbm>> -> memref<1x32x1x1024xf32, #tpu.memory_space<hbm>>
    %dma_start3A_54 = tpu.memref_squeeze %dma_start3A_53 : memref<1x32x1x1024xf32, #tpu.memory_space<hbm>> -> memref<32x1x1024xf32, #tpu.memory_space<hbm>>
    %dma_start3A_55 = arith.constant 0 : i32
    %dma_start3A_56 = arith.constant 0 : i32
    %dma_start3A_57 = tpu.memref_slice %arg4[%select_n3A, %add3A_50, %dma_start3A_55, %dma_start3A_56] : memref<4x2048x1x1024xf32, #tpu.memory_space<hbm>> -> memref<1x32x1x1024xf32, #tpu.memory_space<hbm>>
    %dma_start3A_58 = tpu.memref_squeeze %dma_start3A_57 : memref<1x32x1x1024xf32, #tpu.memory_space<hbm>> -> memref<32x1x1024xf32, #tpu.memory_space<hbm>>
    tpu.enqueue_dma source(%arg6 : memref<32x1x1024xf32, #tpu.memory_space<vmem>>) target(%dma_start3A_58 : memref<32x1x1024xf32, #tpu.memory_space<hbm>>) target_semaphore(%arg12 : memref<!tpu.dma_semaphore, #tpu.memory_space<semaphore_mem>>)
    %dma_start3A_59 = arith.constant 64 : i32
    %dma_start3A_60 = tpu.memref_slice %arg5[%dma_start3A_59] : memref<256xi32, #tpu.memory_space<vmem>> -> memref<32xi32, #tpu.memory_space<vmem>>
    %dma_start3A_61 = arith.constant 0 : i32
    %dma_start3A_62 = arith.constant 0 : i32
    %dma_start3A_63 = arith.constant 0 : i32
    %dma_start3A_64 = tpu.memref_slice %arg2[%dma_start3A_61, %dma_start3A_62, %dma_start3A_63] : memref<2048x1x1024xf32, #tpu.memory_space<hbm>> -> memref<2048x1x1024xf32, #tpu.memory_space<hbm>>
    tpu.enqueue_indirect_dma source(%dma_start3A_64 : memref<2048x1x1024xf32, #tpu.memory_space<hbm>>) target(%arg8 : memref<32x1x1024xf32, #tpu.memory_space<vmem>>) offsets(%dma_start3A_60 : memref<32xi32, #tpu.memory_space<vmem>>) semaphore(%arg11 : memref<!tpu.dma_semaphore, #tpu.memory_space<semaphore_mem>>)
    %dma_wait3A_65 = arith.constant 32 : i32
    %dma_wait3A_66 = tpu.memref_slice %arg5[%dma_wait3A_65] : memref<256xi32, #tpu.memory_space<vmem>> -> memref<32xi32, #tpu.memory_space<vmem>>
    %dma_wait3A_67 = arith.constant 0 : i32
    %dma_wait3A_68 = arith.constant 0 : i32
    %dma_wait3A_69 = arith.constant 0 : i32
    %dma_wait3A_70 = tpu.memref_slice %arg2[%dma_wait3A_67, %dma_wait3A_68, %dma_wait3A_69] : memref<2048x1x1024xf32, #tpu.memory_space<hbm>> -> memref<2048x1x1024xf32, #tpu.memory_space<hbm>>
    tpu.wait_indirect_dma semaphore(%arg10 : memref<!tpu.dma_semaphore, #tpu.memory_space<semaphore_mem>>) src(%dma_wait3A_70 : memref<2048x1x1024xf32, #tpu.memory_space<hbm>>) dst(%arg7 : memref<32x1x1024xf32, #tpu.memory_space<vmem>>)
    %add3A_71 = arith.constant 32 : i32
    %add3A_72 = arith.addi %mul3A_32, %add3A_71 : i32
    %dma_start3A_73 = arith.constant 0 : i32
    %dma_start3A_74 = arith.constant 0 : i32
    %dma_start3A_75 = tpu.memref_slice %arg4[%select_n3A, %add3A_72, %dma_start3A_73, %dma_start3A_74] : memref<4x2048x1x1024xf32, #tpu.memory_space<hbm>> -> memref<1x32x1x1024xf32, #tpu.memory_space<hbm>>
    %dma_start3A_76 = tpu.memref_squeeze %dma_start3A_75 : memref<1x32x1x1024xf32, #tpu.memory_space<hbm>> -> memref<32x1x1024xf32, #tpu.memory_space<hbm>>
    %dma_start3A_77 = arith.constant 0 : i32
    %dma_start3A_78 = arith.constant 0 : i32
    %dma_start3A_79 = tpu.memref_slice %arg4[%select_n3A, %add3A_72, %dma_start3A_77, %dma_start3A_78] : memref<4x2048x1x1024xf32, #tpu.memory_space<hbm>> -> memref<1x32x1x1024xf32, #tpu.memory_space<hbm>>
    %dma_start3A_80 = tpu.memref_squeeze %dma_start3A_79 : memref<1x32x1x1024xf32, #tpu.memory_space<hbm>> -> memref<32x1x1024xf32, #tpu.memory_space<hbm>>
    tpu.enqueue_dma source(%arg7 : memref<32x1x1024xf32, #tpu.memory_space<vmem>>) target(%dma_start3A_80 : memref<32x1x1024xf32, #tpu.memory_space<hbm>>) target_semaphore(%arg13 : memref<!tpu.dma_semaphore, #tpu.memory_space<semaphore_mem>>)
    %add3A_81 = arith.constant 0 : i32
    %add3A_82 = arith.addi %mul3A_32, %add3A_81 : i32
    %dma_wait3A_83 = arith.constant 0 : i32
    %dma_wait3A_84 = arith.constant 0 : i32
    %dma_wait3A_85 = tpu.memref_slice %arg4[%select_n3A, %add3A_82, %dma_wait3A_83, %dma_wait3A_84] : memref<4x2048x1x1024xf32, #tpu.memory_space<hbm>> -> memref<1x32x1x1024xf32, #tpu.memory_space<hbm>>
    %dma_wait3A_86 = tpu.memref_squeeze %dma_wait3A_85 : memref<1x32x1x1024xf32, #tpu.memory_space<hbm>> -> memref<32x1x1024xf32, #tpu.memory_space<hbm>>
    %dma_wait3A_87 = arith.constant 0 : i32
    %dma_wait3A_88 = arith.constant 0 : i32
    %dma_wait3A_89 = tpu.memref_slice %arg4[%select_n3A, %add3A_82, %dma_wait3A_87, %dma_wait3A_88] : memref<4x2048x1x1024xf32, #tpu.memory_space<hbm>> -> memref<1x32x1x1024xf32, #tpu.memory_space<hbm>>
    %dma_wait3A_90 = tpu.memref_squeeze %dma_wait3A_89 : memref<1x32x1x1024xf32, #tpu.memory_space<hbm>> -> memref<32x1x1024xf32, #tpu.memory_space<hbm>>
    tpu.wait_dma2 semaphore(%arg12 : memref<!tpu.dma_semaphore, #tpu.memory_space<semaphore_mem>>) src(%arg6 : memref<32x1x1024xf32, #tpu.memory_space<vmem>>) dst(%dma_wait3A_90 : memref<32x1x1024xf32, #tpu.memory_space<hbm>>)
    %dma_start3A_91 = arith.constant 96 : i32
    %dma_start3A_92 = tpu.memref_slice %arg5[%dma_start3A_91] : memref<256xi32, #tpu.memory_space<vmem>> -> memref<32xi32, #tpu.memory_space<vmem>>
    %dma_start3A_93 = arith.constant 0 : i32
    %dma_start3A_94 = arith.constant 0 : i32
    %dma_start3A_95 = arith.constant 0 : i32
    %dma_start3A_96 = tpu.memref_slice %arg2[%dma_start3A_93, %dma_start3A_94, %dma_start3A_95] : memref<2048x1x1024xf32, #tpu.memory_space<hbm>> -> memref<2048x1x1024xf32, #tpu.memory_space<hbm>>
    tpu.enqueue_indirect_dma source(%dma_start3A_96 : memref<2048x1x1024xf32, #tpu.memory_space<hbm>>) target(%arg6 : memref<32x1x1024xf32, #tpu.memory_space<vmem>>) offsets(%dma_start3A_92 : memref<32xi32, #tpu.memory_space<vmem>>) semaphore(%arg9 : memref<!tpu.dma_semaphore, #tpu.memory_space<semaphore_mem>>)
    %dma_wait3A_97 = arith.constant 64 : i32
    %dma_wait3A_98 = tpu.memref_slice %arg5[%dma_wait3A_97] : memref<256xi32, #tpu.memory_space<vmem>> -> memref<32xi32, #tpu.memory_space<vmem>>
    %dma_wait3A_99 = arith.constant 0 : i32
    %dma_wait3A_100 = arith.constant 0 : i32
    %dma_wait3A_101 = arith.constant 0 : i32
    %dma_wait3A_102 = tpu.memref_slice %arg2[%dma_wait3A_99, %dma_wait3A_100, %dma_wait3A_101] : memref<2048x1x1024xf32, #tpu.memory_space<hbm>> -> memref<2048x1x1024xf32, #tpu.memory_space<hbm>>
    tpu.wait_indirect_dma semaphore(%arg11 : memref<!tpu.dma_semaphore, #tpu.memory_space<semaphore_mem>>) src(%dma_wait3A_102 : memref<2048x1x1024xf32, #tpu.memory_space<hbm>>) dst(%arg8 : memref<32x1x1024xf32, #tpu.memory_space<vmem>>)
    %add3A_103 = arith.constant 64 : i32
    %add3A_104 = arith.addi %mul3A_32, %add3A_103 : i32
    %dma_start3A_105 = arith.constant 0 : i32
    %dma_start3A_106 = arith.constant 0 : i32
    %dma_start3A_107 = tpu.memref_slice %arg4[%select_n3A, %add3A_104, %dma_start3A_105, %dma_start3A_106] : memref<4x2048x1x1024xf32, #tpu.memory_space<hbm>> -> memref<1x32x1x1024xf32, #tpu.memory_space<hbm>>
    %dma_start3A_108 = tpu.memref_squeeze %dma_start3A_107 : memref<1x32x1x1024xf32, #tpu.memory_space<hbm>> -> memref<32x1x1024xf32, #tpu.memory_space<hbm>>
    %dma_start3A_109 = arith.constant 0 : i32
    %dma_start3A_110 = arith.constant 0 : i32
    %dma_start3A_111 = tpu.memref_slice %arg4[%select_n3A, %add3A_104, %dma_start3A_109, %dma_start3A_110] : memref<4x2048x1x1024xf32, #tpu.memory_space<hbm>> -> memref<1x32x1x1024xf32, #tpu.memory_space<hbm>>
    %dma_start3A_112 = tpu.memref_squeeze %dma_start3A_111 : memref<1x32x1x1024xf32, #tpu.memory_space<hbm>> -> memref<32x1x1024xf32, #tpu.memory_space<hbm>>
    tpu.enqueue_dma source(%arg8 : memref<32x1x1024xf32, #tpu.memory_space<vmem>>) target(%dma_start3A_112 : memref<32x1x1024xf32, #tpu.memory_space<hbm>>) target_semaphore(%arg14 : memref<!tpu.dma_semaphore, #tpu.memory_space<semaphore_mem>>)
    %add3A_113 = arith.constant 32 : i32
    %add3A_114 = arith.addi %mul3A_32, %add3A_113 : i32
    %dma_wait3A_115 = arith.constant 0 : i32
    %dma_wait3A_116 = arith.constant 0 : i32
    %dma_wait3A_117 = tpu.memref_slice %arg4[%select_n3A, %add3A_114, %dma_wait3A_115, %dma_wait3A_116] : memref<4x2048x1x1024xf32, #tpu.memory_space<hbm>> -> memref<1x32x1x1024xf32, #tpu.memory_space<hbm>>
    %dma_wait3A_118 = tpu.memref_squeeze %dma_wait3A_117 : memref<1x32x1x1024xf32, #tpu.memory_space<hbm>> -> memref<32x1x1024xf32, #tpu.memory_space<hbm>>
    %dma_wait3A_119 = arith.constant 0 : i32
    %dma_wait3A_120 = arith.constant 0 : i32
    %dma_wait3A_121 = tpu.memref_slice %arg4[%select_n3A, %add3A_114, %dma_wait3A_119, %dma_wait3A_120] : memref<4x2048x1x1024xf32, #tpu.memory_space<hbm>> -> memref<1x32x1x1024xf32, #tpu.memory_space<hbm>>
    %dma_wait3A_122 = tpu.memref_squeeze %dma_wait3A_121 : memref<1x32x1x1024xf32, #tpu.memory_space<hbm>> -> memref<32x1x1024xf32, #tpu.memory_space<hbm>>
    tpu.wait_dma2 semaphore(%arg13 : memref<!tpu.dma_semaphore, #tpu.memory_space<semaphore_mem>>) src(%arg7 : memref<32x1x1024xf32, #tpu.memory_space<vmem>>) dst(%dma_wait3A_122 : memref<32x1x1024xf32, #tpu.memory_space<hbm>>)
    %dma_start3A_123 = arith.constant 128 : i32
    %dma_start3A_124 = tpu.memref_slice %arg5[%dma_start3A_123] : memref<256xi32, #tpu.memory_space<vmem>> -> memref<32xi32, #tpu.memory_space<vmem>>
    %dma_start3A_125 = arith.constant 0 : i32
    %dma_start3A_126 = arith.constant 0 : i32
    %dma_start3A_127 = arith.constant 0 : i32
    %dma_start3A_128 = tpu.memref_slice %arg2[%dma_start3A_125, %dma_start3A_126, %dma_start3A_127] : memref<2048x1x1024xf32, #tpu.memory_space<hbm>> -> memref<2048x1x1024xf32, #tpu.memory_space<hbm>>
    tpu.enqueue_indirect_dma source(%dma_start3A_128 : memref<2048x1x1024xf32, #tpu.memory_space<hbm>>) target(%arg7 : memref<32x1x1024xf32, #tpu.memory_space<vmem>>) offsets(%dma_start3A_124 : memref<32xi32, #tpu.memory_space<vmem>>) semaphore(%arg10 : memref<!tpu.dma_semaphore, #tpu.memory_space<semaphore_mem>>)
    %dma_wait3A_129 = arith.constant 96 : i32
    %dma_wait3A_130 = tpu.memref_slice %arg5[%dma_wait3A_129] : memref<256xi32, #tpu.memory_space<vmem>> -> memref<32xi32, #tpu.memory_space<vmem>>
    %dma_wait3A_131 = arith.constant 0 : i32
    %dma_wait3A_132 = arith.constant 0 : i32
    %dma_wait3A_133 = arith.constant 0 : i32
    %dma_wait3A_134 = tpu.memref_slice %arg2[%dma_wait3A_131, %dma_wait3A_132, %dma_wait3A_133] : memref<2048x1x1024xf32, #tpu.memory_space<hbm>> -> memref<2048x1x1024xf32, #tpu.memory_space<hbm>>
    tpu.wait_indirect_dma semaphore(%arg9 : memref<!tpu.dma_semaphore, #tpu.memory_space<semaphore_mem>>) src(%dma_wait3A_134 : memref<2048x1x1024xf32, #tpu.memory_space<hbm>>) dst(%arg6 : memref<32x1x1024xf32, #tpu.memory_space<vmem>>)
    %add3A_135 = arith.constant 96 : i32
    %add3A_136 = arith.addi %mul3A_32, %add3A_135 : i32
    %dma_start3A_137 = arith.constant 0 : i32
    %dma_start3A_138 = arith.constant 0 : i32
    %dma_start3A_139 = tpu.memref_slice %arg4[%select_n3A, %add3A_136, %dma_start3A_137, %dma_start3A_138] : memref<4x2048x1x1024xf32, #tpu.memory_space<hbm>> -> memref<1x32x1x1024xf32, #tpu.memory_space<hbm>>
    %dma_start3A_140 = tpu.memref_squeeze %dma_start3A_139 : memref<1x32x1x1024xf32, #tpu.memory_space<hbm>> -> memref<32x1x1024xf32, #tpu.memory_space<hbm>>
    %dma_start3A_141 = arith.constant 0 : i32
    %dma_start3A_142 = arith.constant 0 : i32
    %dma_start3A_143 = tpu.memref_slice %arg4[%select_n3A, %add3A_136, %dma_start3A_141, %dma_start3A_142] : memref<4x2048x1x1024xf32, #tpu.memory_space<hbm>> -> memref<1x32x1x1024xf32, #tpu.memory_space<hbm>>
    %dma_start3A_144 = tpu.memref_squeeze %dma_start3A_143 : memref<1x32x1x1024xf32, #tpu.memory_space<hbm>> -> memref<32x1x1024xf32, #tpu.memory_space<hbm>>
    tpu.enqueue_dma source(%arg6 : memref<32x1x1024xf32, #tpu.memory_space<vmem>>) target(%dma_start3A_144 : memref<32x1x1024xf32, #tpu.memory_space<hbm>>) target_semaphore(%arg12 : memref<!tpu.dma_semaphore, #tpu.memory_space<semaphore_mem>>)
    %add3A_145 = arith.constant 64 : i32
    %add3A_146 = arith.addi %mul3A_32, %add3A_145 : i32
    %dma_wait3A_147 = arith.constant 0 : i32
    %dma_wait3A_148 = arith.constant 0 : i32
    %dma_wait3A_149 = tpu.memref_slice %arg4[%select_n3A, %add3A_146, %dma_wait3A_147, %dma_wait3A_148] : memref<4x2048x1x1024xf32, #tpu.memory_space<hbm>> -> memref<1x32x1x1024xf32, #tpu.memory_space<hbm>>
    %dma_wait3A_150 = tpu.memref_squeeze %dma_wait3A_149 : memref<1x32x1x1024xf32, #tpu.memory_space<hbm>> -> memref<32x1x1024xf32, #tpu.memory_space<hbm>>
    %dma_wait3A_151 = arith.constant 0 : i32
    %dma_wait3A_152 = arith.constant 0 : i32
    %dma_wait3A_153 = tpu.memref_slice %arg4[%select_n3A, %add3A_146, %dma_wait3A_151, %dma_wait3A_152] : memref<4x2048x1x1024xf32, #tpu.memory_space<hbm>> -> memref<1x32x1x1024xf32, #tpu.memory_space<hbm>>
    %dma_wait3A_154 = tpu.memref_squeeze %dma_wait3A_153 : memref<1x32x1x1024xf32, #tpu.memory_space<hbm>> -> memref<32x1x1024xf32, #tpu.memory_space<hbm>>
    tpu.wait_dma2 semaphore(%arg14 : memref<!tpu.dma_semaphore, #tpu.memory_space<semaphore_mem>>) src(%arg8 : memref<32x1x1024xf32, #tpu.memory_space<vmem>>) dst(%dma_wait3A_154 : memref<32x1x1024xf32, #tpu.memory_space<hbm>>)
    %dma_start3A_155 = arith.constant 160 : i32
    %dma_start3A_156 = tpu.memref_slice %arg5[%dma_start3A_155] : memref<256xi32, #tpu.memory_space<vmem>> -> memref<32xi32, #tpu.memory_space<vmem>>
    %dma_start3A_157 = arith.constant 0 : i32
    %dma_start3A_158 = arith.constant 0 : i32
    %dma_start3A_159 = arith.constant 0 : i32
    %dma_start3A_160 = tpu.memref_slice %arg2[%dma_start3A_157, %dma_start3A_158, %dma_start3A_159] : memref<2048x1x1024xf32, #tpu.memory_space<hbm>> -> memref<2048x1x1024xf32, #tpu.memory_space<hbm>>
    tpu.enqueue_indirect_dma source(%dma_start3A_160 : memref<2048x1x1024xf32, #tpu.memory_space<hbm>>) target(%arg8 : memref<32x1x1024xf32, #tpu.memory_space<vmem>>) offsets(%dma_start3A_156 : memref<32xi32, #tpu.memory_space<vmem>>) semaphore(%arg11 : memref<!tpu.dma_semaphore, #tpu.memory_space<semaphore_mem>>)
    %dma_wait3A_161 = arith.constant 128 : i32
    %dma_wait3A_162 = tpu.memref_slice %arg5[%dma_wait3A_161] : memref<256xi32, #tpu.memory_space<vmem>> -> memref<32xi32, #tpu.memory_space<vmem>>
    %dma_wait3A_163 = arith.constant 0 : i32
    %dma_wait3A_164 = arith.constant 0 : i32
    %dma_wait3A_165 = arith.constant 0 : i32
    %dma_wait3A_166 = tpu.memref_slice %arg2[%dma_wait3A_163, %dma_wait3A_164, %dma_wait3A_165] : memref<2048x1x1024xf32, #tpu.memory_space<hbm>> -> memref<2048x1x1024xf32, #tpu.memory_space<hbm>>
    tpu.wait_indirect_dma semaphore(%arg10 : memref<!tpu.dma_semaphore, #tpu.memory_space<semaphore_mem>>) src(%dma_wait3A_166 : memref<2048x1x1024xf32, #tpu.memory_space<hbm>>) dst(%arg7 : memref<32x1x1024xf32, #tpu.memory_space<vmem>>)
    %add3A_167 = arith.constant 128 : i32
    %add3A_168 = arith.addi %mul3A_32, %add3A_167 : i32
    %dma_start3A_169 = arith.constant 0 : i32
    %dma_start3A_170 = arith.constant 0 : i32
    %dma_start3A_171 = tpu.memref_slice %arg4[%select_n3A, %add3A_168, %dma_start3A_169, %dma_start3A_170] : memref<4x2048x1x1024xf32, #tpu.memory_space<hbm>> -> memref<1x32x1x1024xf32, #tpu.memory_space<hbm>>
    %dma_start3A_172 = tpu.memref_squeeze %dma_start3A_171 : memref<1x32x1x1024xf32, #tpu.memory_space<hbm>> -> memref<32x1x1024xf32, #tpu.memory_space<hbm>>
    %dma_start3A_173 = arith.constant 0 : i32
    %dma_start3A_174 = arith.constant 0 : i32
    %dma_start3A_175 = tpu.memref_slice %arg4[%select_n3A, %add3A_168, %dma_start3A_173, %dma_start3A_174] : memref<4x2048x1x1024xf32, #tpu.memory_space<hbm>> -> memref<1x32x1x1024xf32, #tpu.memory_space<hbm>>
    %dma_start3A_176 = tpu.memref_squeeze %dma_start3A_175 : memref<1x32x1x1024xf32, #tpu.memory_space<hbm>> -> memref<32x1x1024xf32, #tpu.memory_space<hbm>>
    tpu.enqueue_dma source(%arg7 : memref<32x1x1024xf32, #tpu.memory_space<vmem>>) target(%dma_start3A_176 : memref<32x1x1024xf32, #tpu.memory_space<hbm>>) target_semaphore(%arg13 : memref<!tpu.dma_semaphore, #tpu.memory_space<semaphore_mem>>)
    %add3A_177 = arith.constant 96 : i32
    %add3A_178 = arith.addi %mul3A_32, %add3A_177 : i32
    %dma_wait3A_179 = arith.constant 0 : i32
    %dma_wait3A_180 = arith.constant 0 : i32
    %dma_wait3A_181 = tpu.memref_slice %arg4[%select_n3A, %add3A_178, %dma_wait3A_179, %dma_wait3A_180] : memref<4x2048x1x1024xf32, #tpu.memory_space<hbm>> -> memref<1x32x1x1024xf32, #tpu.memory_space<hbm>>
    %dma_wait3A_182 = tpu.memref_squeeze %dma_wait3A_181 : memref<1x32x1x1024xf32, #tpu.memory_space<hbm>> -> memref<32x1x1024xf32, #tpu.memory_space<hbm>>
    %dma_wait3A_183 = arith.constant 0 : i32
    %dma_wait3A_184 = arith.constant 0 : i32
    %dma_wait3A_185 = tpu.memref_slice %arg4[%select_n3A, %add3A_178, %dma_wait3A_183, %dma_wait3A_184] : memref<4x2048x1x1024xf32, #tpu.memory_space<hbm>> -> memref<1x32x1x1024xf32, #tpu.memory_space<hbm>>
    %dma_wait3A_186 = tpu.memref_squeeze %dma_wait3A_185 : memref<1x32x1x1024xf32, #tpu.memory_space<hbm>> -> memref<32x1x1024xf32, #tpu.memory_space<hbm>>
    tpu.wait_dma2 semaphore(%arg12 : memref<!tpu.dma_semaphore, #tpu.memory_space<semaphore_mem>>) src(%arg6 : memref<32x1x1024xf32, #tpu.memory_space<vmem>>) dst(%dma_wait3A_186 : memref<32x1x1024xf32, #tpu.memory_space<hbm>>)
    %dma_start3A_187 = arith.constant 192 : i32
    %dma_start3A_188 = tpu.memref_slice %arg5[%dma_start3A_187] : memref<256xi32, #tpu.memory_space<vmem>> -> memref<32xi32, #tpu.memory_space<vmem>>
    %dma_start3A_189 = arith.constant 0 : i32
    %dma_start3A_190 = arith.constant 0 : i32
    %dma_start3A_191 = arith.constant 0 : i32
    %dma_start3A_192 = tpu.memref_slice %arg2[%dma_start3A_189, %dma_start3A_190, %dma_start3A_191] : memref<2048x1x1024xf32, #tpu.memory_space<hbm>> -> memref<2048x1x1024xf32, #tpu.memory_space<hbm>>
    tpu.enqueue_indirect_dma source(%dma_start3A_192 : memref<2048x1x1024xf32, #tpu.memory_space<hbm>>) target(%arg6 : memref<32x1x1024xf32, #tpu.memory_space<vmem>>) offsets(%dma_start3A_188 : memref<32xi32, #tpu.memory_space<vmem>>) semaphore(%arg9 : memref<!tpu.dma_semaphore, #tpu.memory_space<semaphore_mem>>)
    %dma_wait3A_193 = arith.constant 160 : i32
    %dma_wait3A_194 = tpu.memref_slice %arg5[%dma_wait3A_193] : memref<256xi32, #tpu.memory_space<vmem>> -> memref<32xi32, #tpu.memory_space<vmem>>
    %dma_wait3A_195 = arith.constant 0 : i32
    %dma_wait3A_196 = arith.constant 0 : i32
    %dma_wait3A_197 = arith.constant 0 : i32
    %dma_wait3A_198 = tpu.memref_slice %arg2[%dma_wait3A_195, %dma_wait3A_196, %dma_wait3A_197] : memref<2048x1x1024xf32, #tpu.memory_space<hbm>> -> memref<2048x1x1024xf32, #tpu.memory_space<hbm>>
    tpu.wait_indirect_dma semaphore(%arg11 : memref<!tpu.dma_semaphore, #tpu.memory_space<semaphore_mem>>) src(%dma_wait3A_198 : memref<2048x1x1024xf32, #tpu.memory_space<hbm>>) dst(%arg8 : memref<32x1x1024xf32, #tpu.memory_space<vmem>>)
    %add3A_199 = arith.constant 160 : i32
    %add3A_200 = arith.addi %mul3A_32, %add3A_199 : i32
    %dma_start3A_201 = arith.constant 0 : i32
    %dma_start3A_202 = arith.constant 0 : i32
    %dma_start3A_203 = tpu.memref_slice %arg4[%select_n3A, %add3A_200, %dma_start3A_201, %dma_start3A_202] : memref<4x2048x1x1024xf32, #tpu.memory_space<hbm>> -> memref<1x32x1x1024xf32, #tpu.memory_space<hbm>>
    %dma_start3A_204 = tpu.memref_squeeze %dma_start3A_203 : memref<1x32x1x1024xf32, #tpu.memory_space<hbm>> -> memref<32x1x1024xf32, #tpu.memory_space<hbm>>
    %dma_start3A_205 = arith.constant 0 : i32
    %dma_start3A_206 = arith.constant 0 : i32
    %dma_start3A_207 = tpu.memref_slice %arg4[%select_n3A, %add3A_200, %dma_start3A_205, %dma_start3A_206] : memref<4x2048x1x1024xf32, #tpu.memory_space<hbm>> -> memref<1x32x1x1024xf32, #tpu.memory_space<hbm>>
    %dma_start3A_208 = tpu.memref_squeeze %dma_start3A_207 : memref<1x32x1x1024xf32, #tpu.memory_space<hbm>> -> memref<32x1x1024xf32, #tpu.memory_space<hbm>>
    tpu.enqueue_dma source(%arg8 : memref<32x1x1024xf32, #tpu.memory_space<vmem>>) target(%dma_start3A_208 : memref<32x1x1024xf32, #tpu.memory_space<hbm>>) target_semaphore(%arg14 : memref<!tpu.dma_semaphore, #tpu.memory_space<semaphore_mem>>)
    %add3A_209 = arith.constant 128 : i32
    %add3A_210 = arith.addi %mul3A_32, %add3A_209 : i32
    %dma_wait3A_211 = arith.constant 0 : i32
    %dma_wait3A_212 = arith.constant 0 : i32
    %dma_wait3A_213 = tpu.memref_slice %arg4[%select_n3A, %add3A_210, %dma_wait3A_211, %dma_wait3A_212] : memref<4x2048x1x1024xf32, #tpu.memory_space<hbm>> -> memref<1x32x1x1024xf32, #tpu.memory_space<hbm>>
    %dma_wait3A_214 = tpu.memref_squeeze %dma_wait3A_213 : memref<1x32x1x1024xf32, #tpu.memory_space<hbm>> -> memref<32x1x1024xf32, #tpu.memory_space<hbm>>
    %dma_wait3A_215 = arith.constant 0 : i32
    %dma_wait3A_216 = arith.constant 0 : i32
    %dma_wait3A_217 = tpu.memref_slice %arg4[%select_n3A, %add3A_210, %dma_wait3A_215, %dma_wait3A_216] : memref<4x2048x1x1024xf32, #tpu.memory_space<hbm>> -> memref<1x32x1x1024xf32, #tpu.memory_space<hbm>>
    %dma_wait3A_218 = tpu.memref_squeeze %dma_wait3A_217 : memref<1x32x1x1024xf32, #tpu.memory_space<hbm>> -> memref<32x1x1024xf32, #tpu.memory_space<hbm>>
    tpu.wait_dma2 semaphore(%arg13 : memref<!tpu.dma_semaphore, #tpu.memory_space<semaphore_mem>>) src(%arg7 : memref<32x1x1024xf32, #tpu.memory_space<vmem>>) dst(%dma_wait3A_218 : memref<32x1x1024xf32, #tpu.memory_space<hbm>>)
    %dma_start3A_219 = arith.constant 224 : i32
    %dma_start3A_220 = tpu.memref_slice %arg5[%dma_start3A_219] : memref<256xi32, #tpu.memory_space<vmem>> -> memref<32xi32, #tpu.memory_space<vmem>>
    %dma_start3A_221 = arith.constant 0 : i32
    %dma_start3A_222 = arith.constant 0 : i32
    %dma_start3A_223 = arith.constant 0 : i32
    %dma_start3A_224 = tpu.memref_slice %arg2[%dma_start3A_221, %dma_start3A_222, %dma_start3A_223] : memref<2048x1x1024xf32, #tpu.memory_space<hbm>> -> memref<2048x1x1024xf32, #tpu.memory_space<hbm>>
    tpu.enqueue_indirect_dma source(%dma_start3A_224 : memref<2048x1x1024xf32, #tpu.memory_space<hbm>>) target(%arg7 : memref<32x1x1024xf32, #tpu.memory_space<vmem>>) offsets(%dma_start3A_220 : memref<32xi32, #tpu.memory_space<vmem>>) semaphore(%arg10 : memref<!tpu.dma_semaphore, #tpu.memory_space<semaphore_mem>>)
    %dma_wait3A_225 = arith.constant 192 : i32
    %dma_wait3A_226 = tpu.memref_slice %arg5[%dma_wait3A_225] : memref<256xi32, #tpu.memory_space<vmem>> -> memref<32xi32, #tpu.memory_space<vmem>>
    %dma_wait3A_227 = arith.constant 0 : i32
    %dma_wait3A_228 = arith.constant 0 : i32
    %dma_wait3A_229 = arith.constant 0 : i32
    %dma_wait3A_230 = tpu.memref_slice %arg2[%dma_wait3A_227, %dma_wait3A_228, %dma_wait3A_229] : memref<2048x1x1024xf32, #tpu.memory_space<hbm>> -> memref<2048x1x1024xf32, #tpu.memory_space<hbm>>
    tpu.wait_indirect_dma semaphore(%arg9 : memref<!tpu.dma_semaphore, #tpu.memory_space<semaphore_mem>>) src(%dma_wait3A_230 : memref<2048x1x1024xf32, #tpu.memory_space<hbm>>) dst(%arg6 : memref<32x1x1024xf32, #tpu.memory_space<vmem>>)
    %add3A_231 = arith.constant 192 : i32
    %add3A_232 = arith.addi %mul3A_32, %add3A_231 : i32
    %dma_start3A_233 = arith.constant 0 : i32
    %dma_start3A_234 = arith.constant 0 : i32
    %dma_start3A_235 = tpu.memref_slice %arg4[%select_n3A, %add3A_232, %dma_start3A_233, %dma_start3A_234] : memref<4x2048x1x1024xf32, #tpu.memory_space<hbm>> -> memref<1x32x1x1024xf32, #tpu.memory_space<hbm>>
    %dma_start3A_236 = tpu.memref_squeeze %dma_start3A_235 : memref<1x32x1x1024xf32, #tpu.memory_space<hbm>> -> memref<32x1x1024xf32, #tpu.memory_space<hbm>>
    %dma_start3A_237 = arith.constant 0 : i32
    %dma_start3A_238 = arith.constant 0 : i32
    %dma_start3A_239 = tpu.memref_slice %arg4[%select_n3A, %add3A_232, %dma_start3A_237, %dma_start3A_238] : memref<4x2048x1x1024xf32, #tpu.memory_space<hbm>> -> memref<1x32x1x1024xf32, #tpu.memory_space<hbm>>
    %dma_start3A_240 = tpu.memref_squeeze %dma_start3A_239 : memref<1x32x1x1024xf32, #tpu.memory_space<hbm>> -> memref<32x1x1024xf32, #tpu.memory_space<hbm>>
    tpu.enqueue_dma source(%arg6 : memref<32x1x1024xf32, #tpu.memory_space<vmem>>) target(%dma_start3A_240 : memref<32x1x1024xf32, #tpu.memory_space<hbm>>) target_semaphore(%arg12 : memref<!tpu.dma_semaphore, #tpu.memory_space<semaphore_mem>>)
    %dma_wait3A_241 = arith.constant 224 : i32
    %dma_wait3A_242 = tpu.memref_slice %arg5[%dma_wait3A_241] : memref<256xi32, #tpu.memory_space<vmem>> -> memref<32xi32, #tpu.memory_space<vmem>>
    %dma_wait3A_243 = arith.constant 0 : i32
    %dma_wait3A_244 = arith.constant 0 : i32
    %dma_wait3A_245 = arith.constant 0 : i32
    %dma_wait3A_246 = tpu.memref_slice %arg2[%dma_wait3A_243, %dma_wait3A_244, %dma_wait3A_245] : memref<2048x1x1024xf32, #tpu.memory_space<hbm>> -> memref<2048x1x1024xf32, #tpu.memory_space<hbm>>
    tpu.wait_indirect_dma semaphore(%arg10 : memref<!tpu.dma_semaphore, #tpu.memory_space<semaphore_mem>>) src(%dma_wait3A_246 : memref<2048x1x1024xf32, #tpu.memory_space<hbm>>) dst(%arg7 : memref<32x1x1024xf32, #tpu.memory_space<vmem>>)
    %add3A_247 = arith.constant 224 : i32
    %add3A_248 = arith.addi %mul3A_32, %add3A_247 : i32
    %dma_start3A_249 = arith.constant 0 : i32
    %dma_start3A_250 = arith.constant 0 : i32
    %dma_start3A_251 = tpu.memref_slice %arg4[%select_n3A, %add3A_248, %dma_start3A_249, %dma_start3A_250] : memref<4x2048x1x1024xf32, #tpu.memory_space<hbm>> -> memref<1x32x1x1024xf32, #tpu.memory_space<hbm>>
    %dma_start3A_252 = tpu.memref_squeeze %dma_start3A_251 : memref<1x32x1x1024xf32, #tpu.memory_space<hbm>> -> memref<32x1x1024xf32, #tpu.memory_space<hbm>>
    %dma_start3A_253 = arith.constant 0 : i32
    %dma_start3A_254 = arith.constant 0 : i32
    %dma_start3A_255 = tpu.memref_slice %arg4[%select_n3A, %add3A_248, %dma_start3A_253, %dma_start3A_254] : memref<4x2048x1x1024xf32, #tpu.memory_space<hbm>> -> memref<1x32x1x1024xf32, #tpu.memory_space<hbm>>
    %dma_start3A_256 = tpu.memref_squeeze %dma_start3A_255 : memref<1x32x1x1024xf32, #tpu.memory_space<hbm>> -> memref<32x1x1024xf32, #tpu.memory_space<hbm>>
    tpu.enqueue_dma source(%arg7 : memref<32x1x1024xf32, #tpu.memory_space<vmem>>) target(%dma_start3A_256 : memref<32x1x1024xf32, #tpu.memory_space<hbm>>) target_semaphore(%arg13 : memref<!tpu.dma_semaphore, #tpu.memory_space<semaphore_mem>>)
    %add3A_257 = arith.constant 160 : i32
    %add3A_258 = arith.addi %mul3A_32, %add3A_257 : i32
    %dma_wait3A_259 = arith.constant 0 : i32
    %dma_wait3A_260 = arith.constant 0 : i32
    %dma_wait3A_261 = tpu.memref_slice %arg4[%select_n3A, %add3A_258, %dma_wait3A_259, %dma_wait3A_260] : memref<4x2048x1x1024xf32, #tpu.memory_space<hbm>> -> memref<1x32x1x1024xf32, #tpu.memory_space<hbm>>
    %dma_wait3A_262 = tpu.memref_squeeze %dma_wait3A_261 : memref<1x32x1x1024xf32, #tpu.memory_space<hbm>> -> memref<32x1x1024xf32, #tpu.memory_space<hbm>>
    %dma_wait3A_263 = arith.constant 0 : i32
    %dma_wait3A_264 = arith.constant 0 : i32
    %dma_wait3A_265 = tpu.memref_slice %arg4[%select_n3A, %add3A_258, %dma_wait3A_263, %dma_wait3A_264] : memref<4x2048x1x1024xf32, #tpu.memory_space<hbm>> -> memref<1x32x1x1024xf32, #tpu.memory_space<hbm>>
    %dma_wait3A_266 = tpu.memref_squeeze %dma_wait3A_265 : memref<1x32x1x1024xf32, #tpu.memory_space<hbm>> -> memref<32x1x1024xf32, #tpu.memory_space<hbm>>
    tpu.wait_dma2 semaphore(%arg14 : memref<!tpu.dma_semaphore, #tpu.memory_space<semaphore_mem>>) src(%arg8 : memref<32x1x1024xf32, #tpu.memory_space<vmem>>) dst(%dma_wait3A_266 : memref<32x1x1024xf32, #tpu.memory_space<hbm>>)
    %add3A_267 = arith.constant 192 : i32
    %add3A_268 = arith.addi %mul3A_32, %add3A_267 : i32
    %dma_wait3A_269 = arith.constant 0 : i32
    %dma_wait3A_270 = arith.constant 0 : i32
    %dma_wait3A_271 = tpu.memref_slice %arg4[%select_n3A, %add3A_268, %dma_wait3A_269, %dma_wait3A_270] : memref<4x2048x1x1024xf32, #tpu.memory_space<hbm>> -> memref<1x32x1x1024xf32, #tpu.memory_space<hbm>>
    %dma_wait3A_272 = tpu.memref_squeeze %dma_wait3A_271 : memref<1x32x1x1024xf32, #tpu.memory_space<hbm>> -> memref<32x1x1024xf32, #tpu.memory_space<hbm>>
    %dma_wait3A_273 = arith.constant 0 : i32
    %dma_wait3A_274 = arith.constant 0 : i32
    %dma_wait3A_275 = tpu.memref_slice %arg4[%select_n3A, %add3A_268, %dma_wait3A_273, %dma_wait3A_274] : memref<4x2048x1x1024xf32, #tpu.memory_space<hbm>> -> memref<1x32x1x1024xf32, #tpu.memory_space<hbm>>
    %dma_wait3A_276 = tpu.memref_squeeze %dma_wait3A_275 : memref<1x32x1x1024xf32, #tpu.memory_space<hbm>> -> memref<32x1x1024xf32, #tpu.memory_space<hbm>>
    tpu.wait_dma2 semaphore(%arg12 : memref<!tpu.dma_semaphore, #tpu.memory_space<semaphore_mem>>) src(%arg6 : memref<32x1x1024xf32, #tpu.memory_space<vmem>>) dst(%dma_wait3A_276 : memref<32x1x1024xf32, #tpu.memory_space<hbm>>)
    %add3A_277 = arith.constant 224 : i32
    %add3A_278 = arith.addi %mul3A_32, %add3A_277 : i32
    %dma_wait3A_279 = arith.constant 0 : i32
    %dma_wait3A_280 = arith.constant 0 : i32
    %dma_wait3A_281 = tpu.memref_slice %arg4[%select_n3A, %add3A_278, %dma_wait3A_279, %dma_wait3A_280] : memref<4x2048x1x1024xf32, #tpu.memory_space<hbm>> -> memref<1x32x1x1024xf32, #tpu.memory_space<hbm>>
    %dma_wait3A_282 = tpu.memref_squeeze %dma_wait3A_281 : memref<1x32x1x1024xf32, #tpu.memory_space<hbm>> -> memref<32x1x1024xf32, #tpu.memory_space<hbm>>
    %dma_wait3A_283 = arith.constant 0 : i32
    %dma_wait3A_284 = arith.constant 0 : i32
    %dma_wait3A_285 = tpu.memref_slice %arg4[%select_n3A, %add3A_278, %dma_wait3A_283, %dma_wait3A_284] : memref<4x2048x1x1024xf32, #tpu.memory_space<hbm>> -> memref<1x32x1x1024xf32, #tpu.memory_space<hbm>>
    %dma_wait3A_286 = tpu.memref_squeeze %dma_wait3A_285 : memref<1x32x1x1024xf32, #tpu.memory_space<hbm>> -> memref<32x1x1024xf32, #tpu.memory_space<hbm>>
    tpu.wait_dma2 semaphore(%arg13 : memref<!tpu.dma_semaphore, #tpu.memory_space<semaphore_mem>>) src(%arg7 : memref<32x1x1024xf32, #tpu.memory_space<vmem>>) dst(%dma_wait3A_286 : memref<32x1x1024xf32, #tpu.memory_space<hbm>>)
    return
  }
}

</mosaic_0001>

<sc_bundles>
// kernel: kernel.3.cloned.1.call-start
scs
__scs_entry_jumppad:
0x0: {  	(pc) =	sbr.rel $0x88, $3  }
0x1: {  	(tag) =	ssettag $0x0;
	lr =	simm.s32 $0x1  }
0x2: {  	[smem:$0x3F9F] =	sst lr;
	_ =	strace $0xD0000000  }
0x3: {  	_ = 	snop  }
0x4: {  	_ = 	snop  }
0x5: {  	_ = 	snop  }
0x6: {  	_ = 	snop  }
0x7: {  	_ = 	snop  }
__scs_overlays_trampoline_lowered:
0x8: {  	[smem:$0x3FAE] =	sst s0  }
0x9: {  	[smem:$0x3FAF] =	sst s1  }
0xa: {  	[smem:$0x3FB0] =	sst s2  }
0xb: {  	[smem:$0x3FB1] =	sst s3  }
0xc: {  	[smem:$0x3FB2] =	sst s4  }
0xd: {  	[smem:$0x3FB3] =	sst s5  }
0xe: {  	[smem:$0x3FB4] =	sst s6  }
0xf: {  	[smem:$0x3FB5] =	sst s7  }
0x10: {  	[smem:$0x3FB6] =	sst s8  }
0x11: {  	[smem:$0x3FB7] =	sst s9;
	s0 =	simm.s32 @!p0 $0x0  }
0x12: {  	s1 =	sld [smem:$0x3F9D];
	s0 =	simm.s32 @p0 $0x1  }
0x13: {  	[smem:$0x3FB8] =	sst s0;
	s0 =	simm.s32 @!p1 $0x0  }
0x14: {  	s2 =	sld [smem:$0x3F9C];
	s0 =	simm.s32 @p1 $0x1  }
0x15: {  	[smem:$0x3FB9] =	sst s0;
	s0 =	simm.s32 @!p2 $0x0  }
0x16: {  	s3 =	sld [smem:$0x3FDB];
	s0 =	simm.s32 @p2 $0x1  }
0x17: {  	s4 =	simm.s32 $0x1BF5;
	[smem:$0x3FBB] =	sst s0  }
0x18: {  	s0 =	sld [smem:$0x3F9E];
	_ =	swait.ge [sflag:s4], $0x0  }
0x19: {  	s7 =	sld [smem:$0x3F9F]  }
0x1a: {  	s8 =	sadd.s32 $0xFFFFE003, lr  }
0x1b: {  	s9 =	sadd.s32 $0xFFFFFEF7, lr;
	s5 =	simm.s32 $0xFFFFFFFF;
	p2 =	slt.u32 s8, $0xFFFFF086  }
0x1c: {  	p1 =	slt.u32 s9, $0xF7A;
	s5 =	simm.s32 @!p2 $0x0  }
0x1d: {  	s5 =	simm.s32 @p1 $0x1;
	p0 =	seq.s32 s7, s2  }
0x1e: {  	s7 =	smul.u32 @!p0 $0xF7A, s2;
	p2 =	seq.s32 @!p0 s5, $0x0  }
0x1f: {  	s9 =	smul.u32 $0xF7A, s1;
	s8 =	simm.s32 @!p0 $0x1BF5;
	p2 =	por !p2, p0  }
0x20: {  	[sflag:s8] =	ssyncset.s32 @!p0 $0xFFFFF086;
	s6 =	sadd.s32 @!p0 s3, s7;
	s7 =	simm.s32 @!p0 $0x108  }
0x21: {  	s3 =	sadd.s32 s3, s9;
	s6 =	sadd.s32 @!p0 $0x88, s6;
	s7 =	simm.s32 @p2 $0x1082  }
0x22: {  	[simem:s7], [sflag:s8] =	dma.local @!p0 [hbm:s6], $0xF7A  }
0x23: {  	s9 =	sor.u32 $0xD0000000, s2;
	s6 =	simm.s32 $0x108;
	_ =	swait.ge @!p0 [sflag:s8], $0x0  }
0x24: {  	s3 =	sadd.s32 $0x88, s3;
	s6 =	simm.s32 @!p1 $0x1082;
	[sflag:s4] =	ssyncset.s32 $0xFFFFF086  }
0x25: {  	[simem:s6], [sflag:s4] =	dma.local [hbm:s3], $0xF7A  }
0x26: {  	[smem:$0x3F9F] =	sst s1;
	(tag) =	ssettag s2;
	_ =	strace s9  }
0x27: {  	s1 =	sld [smem:$0x3FAF]  }
0x28: {  	s2 =	sld [smem:$0x3FB0]  }
0x29: {  	s4 =	sld [smem:$0x3FB2]  }
0x2a: {  	p0 =	seq.s32 s5, $0x0;
	s5 =	sld [smem:$0x3FB3]  }
0x2b: {  	s6 =	sld [smem:$0x3FB4]  }
0x2c: {  	s7 =	sld [smem:$0x3FB5]  }
0x2d: {  	s3 =	simm.s32 $0x108;
	s8 =	sld [smem:$0x3FB6]  }
0x2e: {  	s3 =	simm.s32 @!p0 $0x1082;
	s9 =	sld [smem:$0x3FB7]  }
0x2f: {  	lr =	sadd.s32 s0, s3;
	s0 =	sld [smem:$0x3FAE]  }
0x30: {  	s3 =	sld [smem:$0x3FB1]  }
0x31: {  	[smem:$0x3FBA] =	sst s10  }
0x32: {  	s10 =	sld [smem:$0x3FB8];
	_ =	sdelay $0x3  }
0x33: {  	p0 =	seq.s32 s10, $0x1;
	s10 =	sld [smem:$0x3FBA];
	_ =	sdelay $0x3  }
0x34: {  	[smem:$0x3FBA] =	sst s10  }
0x35: {  	s10 =	sld [smem:$0x3FB9];
	_ =	sdelay $0x3  }
0x36: {  	p1 =	seq.s32 s10, $0x1;
	s10 =	sld [smem:$0x3FBA];
	_ =	sdelay $0x3  }
0x37: {  	[smem:$0x3FBA] =	sst s10  }
0x38: {  	s10 =	sld [smem:$0x3FBB]  }
0x39: {  	_ = 	snop;
	(pc) =	sbr.ind lr, $3  }
0x3a: {  	_ = 	snop  }
0x3b: {  	_ = 	snop  }
0x3c: {  	p2 =	seq.s32 s10, $0x1;
	s10 =	sld [smem:$0x3FBA]  }
0x3d: {  	_ =	shalt  }
0x3e: {  	_ =	shalt  }
0x3f: {  	_ =	shalt  }
0x40: {  	_ =	shalt  }
0x41: {  	_ =	shalt  }
0x42: {  	_ =	shalt  }
0x43: {  	_ =	shalt  }
0x44: {  	_ =	shalt  }
0x45: {  	_ =	shalt  }
0x46: {  	_ =	shalt  }
0x47: {  	_ =	shalt  }
0x48: {  	_ =	shalt  }
0x49: {  	_ =	shalt  }
0x4a: {  	_ =	shalt  }
0x4b: {  	_ =	shalt  }
0x4c: {  	_ =	shalt  }
0x4d: {  	_ =	shalt  }
0x4e: {  	_ =	shalt  }
0x4f: {  	_ =	shalt  }
0x50: {  	_ =	shalt  }
0x51: {  	_ =	shalt  }
0x52: {  	_ =	shalt  }
0x53: {  	_ =	shalt  }
0x54: {  	_ =	shalt  }
0x55: {  	_ =	shalt  }
0x56: {  	_ =	shalt  }
0x57: {  	_ =	shalt  }
0x58: {  	_ =	shalt  }
0x59: {  	_ =	shalt  }
0x5a: {  	_ =	shalt  }
0x5b: {  	_ =	shalt  }
0x5c: {  	_ =	shalt  }
0x5d: {  	_ =	shalt  }
0x5e: {  	_ =	shalt  }
0x5f: {  	_ =	shalt  }
0x60: {  	_ =	shalt  }
0x61: {  	_ =	shalt  }
0x62: {  	_ =	shalt  }
0x63: {  	_ =	shalt  }
0x64: {  	_ =	shalt  }
0x65: {  	_ =	shalt  }
0x66: {  	_ =	shalt  }
0x67: {  	_ =	shalt  }
0x68: {  	_ =	shalt  }
0x69: {  	_ =	shalt  }
0x6a: {  	_ =	shalt  }
0x6b: {  	_ =	shalt  }
0x6c: {  	_ =	shalt  }
0x6d: {  	_ =	shalt  }
0x6e: {  	_ =	shalt  }
0x6f: {  	_ =	shalt  }
0x70: {  	_ =	shalt  }
0x71: {  	_ =	shalt  }
0x72: {  	_ =	shalt  }
0x73: {  	_ =	shalt  }
0x74: {  	_ =	shalt  }
0x75: {  	_ =	shalt  }
0x76: {  	_ =	shalt  }
0x77: {  	_ =	shalt  }
0x78: {  	_ =	shalt  }
0x79: {  	_ =	shalt  }
0x7a: {  	_ =	shalt  }
0x7b: {  	_ =	shalt  }
0x7c: {  	_ =	shalt  }
0x7d: {  	_ =	shalt  }
0x7e: {  	_ =	shalt  }
0x7f: {  	_ =	shalt  }
0x80: {  	_ =	shalt  }
0x81: {  	_ =	shalt  }
0x82: {  	_ =	shalt  }
0x83: {  	_ =	shalt  }
0x84: {  	_ =	shalt  }
0x85: {  	_ =	shalt  }
0x86: {  	_ =	shalt  }
0x87: {  	_ =	shalt  }
.Lfunc_end0:
.L_simem_size_0:
called_computation_lowered:
.L_overlay_start_0:
0x88: {  	s2 =	sld [smem:$0x3FD9]  }
0x89: {  	s3 =	sld [smem:$0x3FFE];
	_ =	sdelay $0x1  }
0x8a: {  	s1 =	srdreg.scid  }
0x8b: {  	s0 =	sand.u32 $0x1, s1  }
0x8c: {  	s18 =	sshll.u32 s0, $0xA;
	s2 =	sadd.s32 s3, s2  }
0x8d: {  	s2 =	sadd.s32 s2, s18  }
0x8e: {  	[smem:$0x3FC6] =	sst s2  }
0x8f: {  	_ = 	snop  }
0x90: {  	s2 =	sld [smem:$0x3FC9]  }
0x91: {  	s19 =	sld [smem:$0x3FC8]  }
0x92: {  	s4 =	sld [smem:$0x3FD0];
	(tm) =	ssettm $0x1  }
0x93: {  	s5 =	sld [smem:$0x3FFB];
	_ =	sdelay $0x3  }
0x94: {  	_ =	strace s5  }
0x95: {  	s5 =	sld [smem:$0x3FFC];
	_ =	sdelay $0x3  }
0x96: {  	_ =	strace s5  }
0x97: {  	s5 =	sld [smem:$0x3FFD];
	_ =	sdelay $0x3  }
0x98: {  	_ =	strace s5  }
0x99: {  	_ =	strace $0x8FFFFFFF  }
0x9a: {  	s20 =	sld [smem:$0x3FDB];
	_ =	sdelay $0x1  }
0x9b: {  	s6 =	simm.s32 $_scs_section_size  }
0x9c: {  	s7 =	simm.s32 $_size__tile_overlayer_lowered;
	s8 =	simm.s32 $_tile_overlayer_lowered  }
0x9d: {  	s23 =	simm.s32 $0x1BFF;
	s22 =	sshll.u32 s8, $0x1;
	s5 =	sadd.s32 s6, s20  }
0x9e: {  	s9 =	simm.s32 $0x0;
	s21 =	sshll.u32 s7, $0x1;
	s7 =	sadd.s32 s22, s5  }
0x9f: {  	[timem:s9], [sflag:s23] =	dma.local [hbm:s7], s21  }
0xa0: {  	_ =	swait.ge [sflag:s23], s21  }
0xa1: {  	s6 =	ssub.s32 $0x0, s21;
	[sflag:s23] =	ssyncset.done $0x0  }
0xa2: {  	[sflag:s23] =	ssyncadd.s32 s6;
	_ =	sdelay $0x1  }
0xa3: {  	s24 =	simm.s32 $0x1B8B  }
0xa4: {  	_ =	swait.ge [sflag:s24], $0x1  }
0xa5: {  	[sflag:s24] =	ssyncset.done $0x0  }
0xa6: {  	s25 =	simm.s32 $0x1B8E;
	[sflag:s24] =	ssyncadd.s32 $0xFFFFFFFF  }
0xa7: {  	s26 =	simm.s32 $execute0_lowered;
	[smem:$0x3FD2] =	sst s25  }
0xa8: {  	s6 =	sshll.u32 s26, $0x1;
	_ =	strace $0x80000046;
	[dreg:$0x1] =	wrdreg $0xFFFFFFFF  }
0xa9: {  	s28 =	simm.s32 $_size_execute0_lowered;
	s5 =	sadd.s32 s5, s6;
	[dreg:$0x0] =	wrdreg $0x0  }
0xaa: {  	s6 =	sshll.u32 s28, $0x1;
	[dreg:$0x2] =	wrdreg s5  }
0xab: {  	[dreg:$0x3] =	wrdreg s6  }
0xac: {  	[dreg:$0x4] =	wrdreg $0xC0  }
0xad: {  	_ =	task [dreg:s9], $0x5FFFF  }
0xae: {  	[dreg:$0x1] =	wrdreg $0xFFFFFFFF  }
0xaf: {  	[dreg:$0x0] =	wrdreg $0x60  }
0xb0: {  	[dreg:$0x2] =	wrdreg s19  }
0xb1: {  	[dreg:$0x3] =	wrdreg s2  }
0xb2: {  	[dreg:$0x4] =	wrdreg s4  }
0xb3: {  	[dreg:$0x5] =	wrdreg $0x9  }
0xb4: {  	_ =	task.clear_ibuf [dreg:s9], $0x6FFFF;
	_ =	strace $0x90000046  }
0xb5: {  	s29 =	simm.s32 $0x9;
	_ =	strace $0x80000048  }
0xb6: {  	_ =	swait.ge [sflag:s29], $0x1  }
0xb7: {  	[sflag:s29] =	ssyncadd.s32 $0xFFFFFFFF  }
0xb8: {  	_ =	strace $0x90000048  }
0xb9: {  	_ =	sfence  }
0xba: {  	s30 =	sld [smem:$0x0];
	_ =	sdelay $0x2  }
0xbb: {  	s31 =	sshll.u32 s1, $0xD;
	s1 =	sshrl.u32 s1, $0x2  }
0xbc: {  	s3 =	sand.u32 $0x4000, s31;
	s1 =	sadd.s32 s1, s30  }
0xbd: {  	s0 =	sor.u32 s3, s0;
	s1 =	sshll.u32 s1, $0x11  }
0xbe: {  	s0 =	sor.u32 s1, s0  }
0xbf: {  	s0 =	sadd.s32 $0x8F2B, s0  }
0xc0: {  	[sflag:s0] =	ssyncadd.remote.s32 $0x1  }
0xc1: {  	_ =	sfence.sel $0xFFFF  }
0xc2: {  	[dreg:$0x0] =	wrdreg $0xFFFFFFFF;
	(pc) =	sbr.abs _section_cstart, $3  }
0xc3: {  	[dreg:$0x1] =	wrdreg $0xFFFFFFFF  }
0xc4: {  	_ =	task.clear_ibuf [dreg:s9], $0x2FFFF;
	_ =	strace $0x9FFFFFFF  }
0xc5: {  	(tm) =	ssettm $0x7FFFFFFF  }
tec
execute0_lowered:
.L_overlay_start_1:
0x0: {  	(tag) =	ssettag $0x1  }
0x1: {  	s2 =	rddreg [dreg:$0x0];
	s1 =	stileid.u32  }
0x2: {  	s4 =	rddreg [dreg:$0x1];
	s3 =	srdreg.scid;
	s5 =	sshll.u32 s1, $0x1  }
0x3: {  	s31 =	sand.u32 $0x1, s3;
	s12 =	sshrl.u32 s1, $0x2;
	s5 =	sand.u32 $0x6, s5  }
0x4: {  	s11 =	rddreg [dreg:$0x2];
	s26 =	sshll.u32 s12, $0x4;
	s13 =	sor.u32 s31, s5  }
0x5: {  	s3 =	simm.s32 $0x0;
	s4 =	sadd.s32 s4, s26;
	s6 =	sshll.u32 s13, $0x7  }
0x6: {  	[smem:$0x7FF] =	sst s3;
	s4 =	sadd.s32 s6, s4  }
0x7: {  	_ =	strace $0x80000047;
	s5 =	simm.s32 $0x200;
	[dreg:$0x4] =	wrdreg s4  }
0x8: {  	s6 =	simm.s32 $0x7;
	s4 =	simm.s32 $0x80;
	s7 =	rddreg [dreg:$0x4]  }
0x9: {  	[tilespmem:s3], [sflag:$0x7] =	stream.strided.gather [hbm4b:s7+s4], $0x100, s5, s4, $0x38;
	[tilespmem:$0x18100] =	vst v63  }
0xa: {  	_ =	swait.ge [sflag:s6], $0x100  }
0xb: {  	[sflag:s6] =	ssyncset.done $0x0  }
0xc: {  	s8 =	simm.s32 $0x100;
	s7 =	simm.s32 $0x20;
	[sflag:s6] =	ssyncadd.s32 $0xFFFFFF00  }
0xd: {  	[tilespmem:s8], [sflag:$0x1] =	stream.indirect.gather [hbm4b:s2+s7], $0x400, s3, s7, $0xb8;
	[tilespmem:$0x18100] =	vst v63  }
0xe: {  	s9 =	simm.s32 $0x8100;
	s10 =	simm.s32 $0x1  }
0xf: {  	[tilespmem:s9], [sflag:$0x2] =	stream.indirect.gather [hbm4b:s2+s7], $0x400, s7, s7, $0xb8;
	[tilespmem:$0x18100] =	vst v63  }
0x10: {  	s12 =	sshll.u32 s12, $0x12;
	s13 =	sshll.u32 s13, $0xF;
	_ =	swait.ge [sflag:s10], $0x8000  }
0x11: {  	s12 =	sor.u32 s12, s13;
	[sflag:s10] =	ssyncset.done $0x0  }
0x12: {  	s11 =	sadd.s32 s11, s12;
	[sflag:s10] =	ssyncadd.s32 $0xFFFF8000  }
0x13: {  	[hbm4b:s11+s3] =	stream.linear.scatter [tilespmem:s8], [sflag:$0x4], $0x8000, $0x38;
	[tilespmem:$0x18100] =	vst v63  }
0x14: {  	s14 =	simm.s32 $0x2;
	s13 =	simm.s32 $0x10100;
	s12 =	simm.s32 $0x40  }
0x15: {  	[tilespmem:s13], [sflag:$0x3] =	stream.indirect.gather [hbm4b:s2+s7], $0x400, s12, s7, $0xb8;
	[tilespmem:$0x18100] =	vst v63  }
0x16: {  	_ =	swait.ge [sflag:s14], $0x8000  }
0x17: {  	[sflag:s14] =	ssyncset.done $0x0  }
0x18: {  	s16 =	simm.s32 $0x4;
	s15 =	sadd.s32 $0x1000, s11;
	[sflag:s14] =	ssyncadd.s32 $0xFFFF8000  }
0x19: {  	[hbm4b:s15+s3] =	stream.linear.scatter [tilespmem:s9], [sflag:$0x5], $0x8000, $0x38;
	[tilespmem:$0x18100] =	vst v63  }
0x1a: {  	_ =	swait.ge [sflag:s16], $0x8000  }
0x1b: {  	[sflag:s16] =	ssyncset.done $0x0  }
0x1c: {  	s17 =	simm.s32 $0x60;
	s18 =	simm.s32 $0x3;
	[sflag:s16] =	ssyncadd.s32 $0xFFFF8000  }
0x1d: {  	[tilespmem:s8], [sflag:$0x1] =	stream.indirect.gather [hbm4b:s2+s7], $0x400, s17, s7, $0xb8;
	[tilespmem:$0x18100] =	vst v63  }
0x1e: {  	_ =	swait.ge [sflag:s18], $0x8000  }
0x1f: {  	[sflag:s18] =	ssyncset.done $0x0  }
0x20: {  	s19 =	simm.s32 $0x5;
	s20 =	sadd.s32 $0x2000, s11;
	[sflag:s18] =	ssyncadd.s32 $0xFFFF8000  }
0x21: {  	[hbm4b:s20+s3] =	stream.linear.scatter [tilespmem:s13], [sflag:$0x6], $0x8000, $0x38;
	[tilespmem:$0x18100] =	vst v63  }
0x22: {  	_ =	swait.ge [sflag:s19], $0x8000  }
0x23: {  	[sflag:s19] =	ssyncset.done $0x0  }
0x24: {  	[sflag:s19] =	ssyncadd.s32 $0xFFFF8000  }
0x25: {  	[tilespmem:s9], [sflag:$0x2] =	stream.indirect.gather [hbm4b:s2+s7], $0x400, s4, s7, $0xb8;
	[tilespmem:$0x18100] =	vst v63  }
0x26: {  	_ =	swait.ge [sflag:s10], $0x8000  }
0x27: {  	[sflag:s10] =	ssyncset.done $0x0  }
0x28: {  	s22 =	simm.s32 $0x6;
	s21 =	sadd.s32 $0x3000, s11;
	[sflag:s10] =	ssyncadd.s32 $0xFFFF8000  }
0x29: {  	[hbm4b:s21+s3] =	stream.linear.scatter [tilespmem:s8], [sflag:$0x4], $0x8000, $0x38;
	[tilespmem:$0x18100] =	vst v63  }
0x2a: {  	_ =	swait.ge [sflag:s22], $0x8000  }
0x2b: {  	[sflag:s22] =	ssyncset.done $0x0  }
0x2c: {  	s23 =	simm.s32 $0xA0;
	[sflag:s22] =	ssyncadd.s32 $0xFFFF8000  }
0x2d: {  	[tilespmem:s13], [sflag:$0x3] =	stream.indirect.gather [hbm4b:s2+s7], $0x400, s23, s7, $0xb8;
	[tilespmem:$0x18100] =	vst v63  }
0x2e: {  	_ =	swait.ge [sflag:s14], $0x8000  }
0x2f: {  	[sflag:s14] =	ssyncset.done $0x0  }
0x30: {  	s24 =	sadd.s32 $0x4000, s11;
	[sflag:s14] =	ssyncadd.s32 $0xFFFF8000  }
0x31: {  	[hbm4b:s24+s3] =	stream.linear.scatter [tilespmem:s9], [sflag:$0x5], $0x8000, $0x38;
	[tilespmem:$0x18100] =	vst v63  }
0x32: {  	_ =	swait.ge [sflag:s16], $0x8000  }
0x33: {  	[sflag:s16] =	ssyncset.done $0x0  }
0x34: {  	s25 =	simm.s32 $0xC0;
	[sflag:s16] =	ssyncadd.s32 $0xFFFF8000  }
0x35: {  	[tilespmem:s8], [sflag:$0x1] =	stream.indirect.gather [hbm4b:s2+s7], $0x400, s25, s7, $0xb8;
	[tilespmem:$0x18100] =	vst v63  }
0x36: {  	_ =	swait.ge [sflag:s18], $0x8000  }
0x37: {  	[sflag:s18] =	ssyncset.done $0x0  }
0x38: {  	s26 =	sadd.s32 $0x5000, s11;
	[sflag:s18] =	ssyncadd.s32 $0xFFFF8000  }
0x39: {  	[hbm4b:s26+s3] =	stream.linear.scatter [tilespmem:s13], [sflag:$0x6], $0x8000, $0x38;
	[tilespmem:$0x18100] =	vst v63  }
0x3a: {  	_ =	swait.ge [sflag:s19], $0x8000  }
0x3b: {  	[sflag:s19] =	ssyncset.done $0x0  }
0x3c: {  	s28 =	simm.s32 $0xE0;
	[sflag:s19] =	ssyncadd.s32 $0xFFFF8000  }
0x3d: {  	[tilespmem:s9], [sflag:$0x2] =	stream.indirect.gather [hbm4b:s2+s7], $0x400, s28, s7, $0xb8;
	[tilespmem:$0x18100] =	vst v63  }
0x3e: {  	_ =	swait.ge [sflag:s10], $0x8000  }
0x3f: {  	[sflag:s10] =	ssyncset.done $0x0  }
0x40: {  	s29 =	sadd.s32 $0x6000, s11;
	[sflag:s10] =	ssyncadd.s32 $0xFFFF8000  }
0x41: {  	[hbm4b:s29+s3] =	stream.linear.scatter [tilespmem:s8], [sflag:$0x4], $0x8000, $0x38;
	[tilespmem:$0x18100] =	vst v63  }
0x42: {  	s31 =	ssub.s32 $0x2, s31;
	_ =	swait.ge [sflag:s14], $0x8000  }
0x43: {  	s0 =	sshrl.u32 s31, $0x1;
	[sflag:s14] =	ssyncset.done $0x0  }
0x44: {  	s0 =	ssub.s32 s31, s0;
	s30 =	sadd.s32 $0x7000, s11;
	[sflag:s14] =	ssyncadd.s32 $0xFFFF8000  }
0x45: {  	[hbm4b:s30+s3] =	stream.linear.scatter [tilespmem:s9], [sflag:$0x5], $0x8000, $0x38;
	[tilespmem:$0x18100] =	vst v63  }
0x46: {  	s0 =	smax.u32 s0, $0x1;
	_ =	swait.ge [sflag:s22], $0x8000  }
0x47: {  	p0 =	sne.s32 s0, $0x1;
	[sflag:s22] =	ssyncset.done $0x0  }
.Ltmp0:
0x48: {  	[sflag:s22] =	ssyncadd.s32 $0xFFFF8000;
	(pc) =	sbr.rel @!p0 .LBB2_2-.Ltmp0, $4  }
0x49: {  	_ =	swait.ge [sflag:s16], $0x8000  }
0x4a: {  	[sflag:s16] =	ssyncset.done $0x0  }
0x4b: {  	[sflag:s16] =	ssyncadd.s32 $0xFFFF8000  }
0x4c: {  	s31 =	sadd.s32 $0xFFFFFFFF, s0;
	_ =	swait.ge [sflag:s19], $0x8000  }
.LBB2_1:
0x4d: {  	[sflag:s19] =	ssyncset.done $0x0  }
0x4e: {  	s0 =	rddreg [dreg:$0x4];
	[sflag:s19] =	ssyncadd.s32 $0xFFFF8000  }
0x4f: {  	[tilespmem:s3], [sflag:$0x7] =	stream.strided.gather [hbm4b:s0+s4], $0x100, s5, s4, $0x38;
	[tilespmem:$0x18100] =	vst v63  }
0x50: {  	_ =	swait.ge [sflag:s6], $0x100  }
0x51: {  	[sflag:s6] =	ssyncset.done $0x0  }
0x52: {  	[sflag:s6] =	ssyncadd.s32 $0xFFFFFF00  }
0x53: {  	[tilespmem:s8], [sflag:$0x1] =	stream.indirect.gather [hbm4b:s2+s7], $0x400, s3, s7, $0xb8;
	[tilespmem:$0x18100] =	vst v63  }
0x54: {  	_ = 	snop  }
0x55: {  	[tilespmem:s9], [sflag:$0x2] =	stream.indirect.gather [hbm4b:s2+s7], $0x400, s7, s7, $0xb8;
	[tilespmem:$0x18100] =	vst v63  }
0x56: {  	_ =	swait.ge [sflag:s10], $0x8000  }
0x57: {  	[sflag:s10] =	ssyncset.done $0x0  }
0x58: {  	[sflag:s10] =	ssyncadd.s32 $0xFFFF8000  }
0x59: {  	[hbm4b:s11+s3] =	stream.linear.scatter [tilespmem:s8], [sflag:$0x4], $0x8000, $0x38;
	[tilespmem:$0x18100] =	vst v63  }
0x5a: {  	_ = 	snop  }
0x5b: {  	[tilespmem:s13], [sflag:$0x3] =	stream.indirect.gather [hbm4b:s2+s7], $0x400, s12, s7, $0xb8;
	[tilespmem:$0x18100] =	vst v63  }
0x5c: {  	_ =	swait.ge [sflag:s14], $0x8000  }
0x5d: {  	[sflag:s14] =	ssyncset.done $0x0  }
0x5e: {  	[sflag:s14] =	ssyncadd.s32 $0xFFFF8000  }
0x5f: {  	[hbm4b:s15+s3] =	stream.linear.scatter [tilespmem:s9], [sflag:$0x5], $0x8000, $0x38;
	[tilespmem:$0x18100] =	vst v63  }
0x60: {  	_ =	swait.ge [sflag:s16], $0x8000  }
0x61: {  	[sflag:s16] =	ssyncset.done $0x0  }
0x62: {  	[sflag:s16] =	ssyncadd.s32 $0xFFFF8000  }
0x63: {  	[tilespmem:s8], [sflag:$0x1] =	stream.indirect.gather [hbm4b:s2+s7], $0x400, s17, s7, $0xb8;
	[tilespmem:$0x18100] =	vst v63  }
0x64: {  	_ =	swait.ge [sflag:s18], $0x8000  }
0x65: {  	[sflag:s18] =	ssyncset.done $0x0  }
0x66: {  	[sflag:s18] =	ssyncadd.s32 $0xFFFF8000  }
0x67: {  	[hbm4b:s20+s3] =	stream.linear.scatter [tilespmem:s13], [sflag:$0x6], $0x8000, $0x38;
	[tilespmem:$0x18100] =	vst v63  }
0x68: {  	_ =	swait.ge [sflag:s19], $0x8000  }
0x69: {  	[sflag:s19] =	ssyncset.done $0x0  }
0x6a: {  	[sflag:s19] =	ssyncadd.s32 $0xFFFF8000  }
0x6b: {  	[tilespmem:s9], [sflag:$0x2] =	stream.indirect.gather [hbm4b:s2+s7], $0x400, s4, s7, $0xb8;
	[tilespmem:$0x18100] =	vst v63  }
0x6c: {  	_ =	swait.ge [sflag:s10], $0x8000  }
0x6d: {  	[sflag:s10] =	ssyncset.done $0x0  }
0x6e: {  	[sflag:s10] =	ssyncadd.s32 $0xFFFF8000  }
0x6f: {  	[hbm4b:s21+s3] =	stream.linear.scatter [tilespmem:s8], [sflag:$0x4], $0x8000, $0x38;
	[tilespmem:$0x18100] =	vst v63  }
0x70: {  	_ =	swait.ge [sflag:s22], $0x8000  }
0x71: {  	[sflag:s22] =	ssyncset.done $0x0  }
0x72: {  	[sflag:s22] =	ssyncadd.s32 $0xFFFF8000  }
0x73: {  	[tilespmem:s13], [sflag:$0x3] =	stream.indirect.gather [hbm4b:s2+s7], $0x400, s23, s7, $0xb8;
	[tilespmem:$0x18100] =	vst v63  }
0x74: {  	_ =	swait.ge [sflag:s14], $0x8000  }
0x75: {  	[sflag:s14] =	ssyncset.done $0x0  }
0x76: {  	[sflag:s14] =	ssyncadd.s32 $0xFFFF8000  }
0x77: {  	[hbm4b:s24+s3] =	stream.linear.scatter [tilespmem:s9], [sflag:$0x5], $0x8000, $0x38;
	[tilespmem:$0x18100] =	vst v63  }
0x78: {  	_ =	swait.ge [sflag:s16], $0x8000  }
0x79: {  	[sflag:s16] =	ssyncset.done $0x0  }
0x7a: {  	[sflag:s16] =	ssyncadd.s32 $0xFFFF8000  }
0x7b: {  	[tilespmem:s8], [sflag:$0x1] =	stream.indirect.gather [hbm4b:s2+s7], $0x400, s25, s7, $0xb8;
	[tilespmem:$0x18100] =	vst v63  }
0x7c: {  	_ =	swait.ge [sflag:s18], $0x8000  }
0x7d: {  	[sflag:s18] =	ssyncset.done $0x0  }
0x7e: {  	[sflag:s18] =	ssyncadd.s32 $0xFFFF8000  }
0x7f: {  	[hbm4b:s26+s3] =	stream.linear.scatter [tilespmem:s13], [sflag:$0x6], $0x8000, $0x38;
	[tilespmem:$0x18100] =	vst v63  }
0x80: {  	_ =	swait.ge [sflag:s19], $0x8000  }
0x81: {  	[sflag:s19] =	ssyncset.done $0x0  }
0x82: {  	[sflag:s19] =	ssyncadd.s32 $0xFFFF8000  }
0x83: {  	[tilespmem:s9], [sflag:$0x2] =	stream.indirect.gather [hbm4b:s2+s7], $0x400, s28, s7, $0xb8;
	[tilespmem:$0x18100] =	vst v63  }
0x84: {  	_ =	swait.ge [sflag:s10], $0x8000  }
0x85: {  	[sflag:s10] =	ssyncset.done $0x0  }
0x86: {  	[sflag:s10] =	ssyncadd.s32 $0xFFFF8000  }
0x87: {  	[hbm4b:s29+s3] =	stream.linear.scatter [tilespmem:s8], [sflag:$0x4], $0x8000, $0x38;
	[tilespmem:$0x18100] =	vst v63  }
0x88: {  	_ =	swait.ge [sflag:s14], $0x8000  }
0x89: {  	[sflag:s14] =	ssyncset.done $0x0  }
0x8a: {  	[sflag:s14] =	ssyncadd.s32 $0xFFFF8000  }
0x8b: {  	[hbm4b:s30+s3] =	stream.linear.scatter [tilespmem:s9], [sflag:$0x5], $0x8000, $0x38;
	[tilespmem:$0x18100] =	vst v63  }
0x8c: {  	_ =	swait.ge [sflag:s22], $0x8000  }
0x8d: {  	p0 =	sne.s32 s31, $0x1;
	[sflag:s22] =	ssyncset.done $0x0  }
.Ltmp1:
0x8e: {  	[sflag:s22] =	ssyncadd.s32 $0xFFFF8000;
	(pc) =	sbr.rel @p0 .LBB2_1-.Ltmp1, $4  }
0x8f: {  	_ =	swait.ge [sflag:s16], $0x8000  }
0x90: {  	[sflag:s16] =	ssyncset.done $0x0  }
0x91: {  	[sflag:s16] =	ssyncadd.s32 $0xFFFF8000  }
0x92: {  	s31 =	sadd.s32 $0xFFFFFFFF, s31;
	_ =	swait.ge [sflag:s19], $0x8000  }
.LBB2_2:
0x93: {  	[sflag:s19] =	ssyncset.done $0x0  }
0x94: {  	[sflag:s19] =	ssyncadd.s32 $0xFFFF8000  }
0x95: {  	_ =	sfence.sel $0x180000  }
0x96: {  	[bflag:$0x0] =	sbarrier.arrive $0xFFFF  }
0x97: {  	_ =	strace $0x90000047  }
0x98: {  	[bflag:$0x2] =	sbarrier.arrive $0xFFFF  }
0x99: {  	p0 =	sne.s32 s1, $0x0;
	s0 =	rddreg [dreg:$0x3]  }
0x9a: {  	s0 =	sadd.s32 @!p0 $0x100000, s0  }
0x9b: {  	[sflag:s0] =	ssyncadd.tile.s32 @!p0 $0x1;
	_ =	shalt  }
.Lfunc_end2:
_tile_overlayer_lowered:
.L_overlay_start_2:
0x9c: {  	(tag) =	ssettag $0x2  }
0x9d: {  	s0 =	rddreg [dreg:$0x0];
	s2 =	stileid.u32  }
0x9e: {  	s1 =	rddreg [dreg:$0x1];
	p0 =	sne.s32 s2, $0x0  }
0x9f: {  	s3 =	rddreg [dreg:$0x2];
	[bflag:$0x3] =	sbarrier.arrive $0xFFFF;
	s2 =	simm.s32 @!p0 $0x1C07  }
0xa0: {  	[timem:s3], [sflag:s2] =	dma.local @!p0 [hbm:s0], s1  }
0xa1: {  	s0 =	simm.s32 @!p0 $0x7  }
0xa2: {  	_ =	swait.ge @!p0 [sflag:s0], s1  }
0xa3: {  	s1 =	ssub.s32 @!p0 $0x0, s1;
	[sflag:s0] =	ssyncset.done @!p0 $0x0  }
0xa4: {  	[sflag:s0] =	ssyncadd.s32 @!p0 s1  }
0xa5: {  	[bflag:$0x3] =	sbarrier.arrive $0xFFFF  }
0xa6: {  	_ =	shalt  }

</sc_bundles>
